<compile_context>
chip_gen: v7x
topology: tpu7x:2x2x1
jax: 0.10.2.dev20260603
libtpu: 0.0.44.dev20260713+nightly
codegen_flags: <defaults>
</compile_context>

<pallas_src>
import jax
import jax.numpy as jnp
from jax import lax
from jax.experimental import pallas as pl
from jax.experimental.pallas import tpu as pltpu
from jax.experimental.pallas import tpu_sc as plsc

_NC = 2
_NS = 16
_NW = _NC * _NS
_CH = 512


def _make_body(total, vocab, dim):
    per_w = total // _NW
    nchunks = per_w // _CH

    def body(idx_hbm, tab_hbm, out_hbm, tab_v, idx_v0, idx_v1,
             out_v0, out_v1, sem_i0, sem_i1, sem_o0, sem_o1):
        idx_v = (idx_v0, idx_v1)
        out_v = (out_v0, out_v1)
        sem_i = (sem_i0, sem_i1)
        sem_o = (sem_o0, sem_o1)
        wid = lax.axis_index("s") * _NC + lax.axis_index("c")
        base = wid * per_w
        pltpu.sync_copy(tab_hbm, tab_v)
        iota_d = lax.iota(jnp.int32, 16) * dim

        pltpu.async_copy(idx_hbm.at[pl.ds(base, _CH)], idx_v0, sem_i0)

        def outer(j, carry):
            for b in (0, 1):
                k = 2 * j + b
                off = base + k * _CH
                pltpu.make_async_copy(
                    idx_hbm.at[pl.ds(base, _CH)], idx_v[b], sem_i[b]
                ).wait()

                @pl.when(k + 1 < nchunks)
                def _():
                    pltpu.async_copy(
                        idx_hbm.at[pl.ds(off + _CH, _CH)],
                        idx_v[1 - b], sem_i[1 - b])

                @pl.when(k >= 2)
                def _():
                    pltpu.make_async_copy(
                        out_v[b], out_hbm.at[pl.ds(base * dim, _CH * dim)],
                        sem_o[b]).wait()

                out_b = out_v[b]
                idx_b = idx_v[b]

                @plsc.parallel_loop(0, _CH // 16)
                def group(g):
                    idx16 = idx_b[pl.ds(g * 16, 16)]
                    src0 = idx16 * dim
                    dst0 = iota_d + g * (16 * dim)

                    @plsc.parallel_loop(0, dim, unroll=8)
                    def wstep(w):
                        v = plsc.load_gather(tab_v, [src0 + w])
                        plsc.store_scatter(out_b, [dst0 + w], v)

                pltpu.async_copy(
                    out_b, out_hbm.at[pl.ds(off * dim, _CH * dim)],
                    sem_o[b])
            return carry

        lax.fori_loop(0, nchunks // 2, outer, 0)
        for b in (0, 1):
            pltpu.make_async_copy(
                out_v[b], out_hbm.at[pl.ds(base * dim, _CH * dim)],
                sem_o[b]).wait()

    return body


def kernel(indices, table):
    b0, b1 = indices.shape
    vocab, dim = table.shape
    total = b0 * b1
    assert total % (_NW * _CH) == 0 and _CH % 16 == 0
    idx1d = indices.reshape(total).astype(jnp.int32)
    tab1d = table.reshape(vocab * dim)

    run = pl.kernel(
        _make_body(total, vocab, dim),
        out_type=jax.ShapeDtypeStruct((total * dim,), jnp.float32),
        mesh=plsc.VectorSubcoreMesh(core_axis_name="c", subcore_axis_name="s"),
        compiler_params=pltpu.CompilerParams(needs_layout_passes=False),
        scratch_types=[
            pltpu.VMEM((vocab * dim,), jnp.float32),
            pltpu.VMEM((_CH,), jnp.int32),
            pltpu.VMEM((_CH,), jnp.int32),
            pltpu.VMEM((_CH * dim,), jnp.float32),
            pltpu.VMEM((_CH * dim,), jnp.float32),
            pltpu.SemaphoreType.DMA,
            pltpu.SemaphoreType.DMA,
            pltpu.SemaphoreType.DMA,
            pltpu.SemaphoreType.DMA,
        ],
    )
    return run(idx1d, tab1d).reshape(b0, b1, dim)

# --- scband reference (transcript-rebuilt; emitter-appended) ---
"""Pipeline reference for scband-text-encoder-45655502356696 (READ-ONLY COPY).

The authoritative reference and input builder live on the scoring server;
editing this copy changes nothing except your own understanding.
"""

import jax, jax.numpy as jnp
import numpy as np

def setup_inputs(seed: int = 0) -> dict:
    key = jax.random.key(seed)
    k1, k2 = jax.random.split(key)
    indices = jax.random.randint(k1, (4096, 200), 0, 100, dtype=jnp.int64 if jax.config.read('jax_enable_x64') else jnp.int32)
    table = jax.random.normal(k2, (100, 100), dtype=jnp.float32)
    return {"indices": indices, "table": table}

def reference(indices, table):
    # nn.Embedding forward: gather rows of the embedding table
    return jnp.take(table, indices, axis=0)

if __name__ == "__main__":
    import jax
    _d = setup_inputs()
    print(jax.jit(kernel)(*tuple(_d.values())))

</pallas_src>

<mosaic_0001>
#map = affine_map<(d0, d1) -> (0)>
module attributes {stable_mosaic.version = 14 : i64} {
  func.func @body(%arg0: i32, %arg1: i32, %arg2: memref<819200xi32, #tpu.memory_space<hbm>>, %arg3: memref<10000xf32, #tpu.memory_space<hbm>>, %arg4: memref<81920000xf32, #tpu.memory_space<hbm>>, %arg5: memref<10000xf32, #tpu.memory_space<vmem>>, %arg6: memref<512xi32, #tpu.memory_space<vmem>>, %arg7: memref<512xi32, #tpu.memory_space<vmem>>, %arg8: memref<51200xf32, #tpu.memory_space<vmem>>, %arg9: memref<51200xf32, #tpu.memory_space<vmem>>, %arg10: memref<!tpu.dma_semaphore, #tpu.memory_space<semaphore_mem>>, %arg11: memref<!tpu.dma_semaphore, #tpu.memory_space<semaphore_mem>>, %arg12: memref<!tpu.dma_semaphore, #tpu.memory_space<semaphore_mem>>, %arg13: memref<!tpu.dma_semaphore, #tpu.memory_space<semaphore_mem>>) attributes {dimension_semantics = [#tpu.dimension_semantics<core_parallel>, #tpu.dimension_semantics<subcore_parallel>], iteration_bounds = array<i64: 2, 16>, scalar_prefetch = 0 : i64, scratch_operands = 9 : i64, tpu.core_type = #tpu.core_type<sc_vector_subcore>, window_params = [{transform_indices = #map}, {transform_indices = #map}, {transform_indices = #map}]} {
    %mul3A = arith.constant 2 : i32
    %mul3A_0 = arith.muli %arg1, %mul3A : i32
    %add3A = arith.addi %mul3A_0, %arg0 : i32
    %mul3A_1 = arith.constant 25600 : i32
    %mul3A_2 = arith.muli %add3A, %mul3A_1 : i32
    "tpu.region"() ({
      %run_scoped3A = tpu.sem_alloc : memref<!tpu.dma_semaphore, #tpu.memory_space<semaphore_mem>>
      tpu.enqueue_dma source(%arg3 : memref<10000xf32, #tpu.memory_space<hbm>>) target(%arg5 : memref<10000xf32, #tpu.memory_space<vmem>>) target_semaphore(%run_scoped3A : memref<!tpu.dma_semaphore, #tpu.memory_space<semaphore_mem>>)
      tpu.wait_dma2 semaphore(%run_scoped3A : memref<!tpu.dma_semaphore, #tpu.memory_space<semaphore_mem>>) src(%arg3 : memref<10000xf32, #tpu.memory_space<hbm>>) dst(%arg5 : memref<10000xf32, #tpu.memory_space<vmem>>)
      tpu.yield
    }) : () -> ()
    %iota3A = tpu.iota {dimensions = array<i32: 0>} : vector<16xi32>
    %mul3A_3 = arith.constant 100 : i32
    %mul3A_4 = vector.broadcast %mul3A_3 : i32 to vector<16xi32>
    %mul3A_5 = arith.muli %iota3A, %mul3A_4 : vector<16xi32>
    %dma_start3A = tpu.memref_slice %arg2[%mul3A_2] : memref<819200xi32, #tpu.memory_space<hbm>> -> memref<512xi32, #tpu.memory_space<hbm>>
    %dma_start3A_6 = tpu.memref_slice %arg2[%mul3A_2] : memref<819200xi32, #tpu.memory_space<hbm>> -> memref<512xi32, #tpu.memory_space<hbm>>
    tpu.enqueue_dma source(%dma_start3A_6 : memref<512xi32, #tpu.memory_space<hbm>>) target(%arg6 : memref<512xi32, #tpu.memory_space<vmem>>) target_semaphore(%arg10 : memref<!tpu.dma_semaphore, #tpu.memory_space<semaphore_mem>>)
    %scan3A = arith.constant 0 : i32
    %scan3A_7 = arith.constant 0 : i32
    %scan3A_8 = arith.constant 25 : i32
    %scan3A_9 = arith.addi %scan3A_7, %scan3A_8 : i32
    %scan3A_10 = arith.constant 1 : i32
    scf.for %scan3A_19 = %scan3A_7 to %scan3A_9 step %scan3A_10  : i32 {
      %mul3A_20 = arith.constant 2 : i32
      %mul3A_21 = arith.muli %mul3A_20, %scan3A_19 : i32
      %add3A_22 = arith.constant 0 : i32
      %add3A_23 = arith.addi %mul3A_21, %add3A_22 : i32
      %mul3A_24 = arith.constant 512 : i32
      %mul3A_25 = arith.muli %add3A_23, %mul3A_24 : i32
      %add3A_26 = arith.addi %mul3A_2, %mul3A_25 : i32
      %dma_wait3A_27 = tpu.memref_slice %arg2[%mul3A_2] : memref<819200xi32, #tpu.memory_space<hbm>> -> memref<512xi32, #tpu.memory_space<hbm>>
      %dma_wait3A_28 = tpu.memref_slice %arg2[%mul3A_2] : memref<819200xi32, #tpu.memory_space<hbm>> -> memref<512xi32, #tpu.memory_space<hbm>>
      tpu.wait_dma2 semaphore(%arg10 : memref<!tpu.dma_semaphore, #tpu.memory_space<semaphore_mem>>) src(%dma_wait3A_28 : memref<512xi32, #tpu.memory_space<hbm>>) dst(%arg6 : memref<512xi32, #tpu.memory_space<vmem>>)
      %add3A_29 = arith.constant 1 : i32
      %add3A_30 = arith.addi %add3A_23, %add3A_29 : i32
      %lt3A = arith.constant 50 : i32
      %lt3A_31 = arith.cmpi slt, %add3A_30, %lt3A : i32
      %convert_element_type3A = arith.extui %lt3A_31 : i1 to i32
      %cond3A = arith.constant 0 : i32
      %cond3A_32 = arith.cmpi ne, %convert_element_type3A, %cond3A : i32
      scf.if %cond3A_32 {
        %add3A_71 = arith.constant 512 : i32
        %add3A_72 = arith.addi %add3A_26, %add3A_71 : i32
        %dma_start3A_73 = tpu.memref_slice %arg2[%add3A_72] : memref<819200xi32, #tpu.memory_space<hbm>> -> memref<512xi32, #tpu.memory_space<hbm>>
        %dma_start3A_74 = tpu.memref_slice %arg2[%add3A_72] : memref<819200xi32, #tpu.memory_space<hbm>> -> memref<512xi32, #tpu.memory_space<hbm>>
        tpu.enqueue_dma source(%dma_start3A_74 : memref<512xi32, #tpu.memory_space<hbm>>) target(%arg7 : memref<512xi32, #tpu.memory_space<vmem>>) target_semaphore(%arg11 : memref<!tpu.dma_semaphore, #tpu.memory_space<semaphore_mem>>)
      } else {
      }
      %ge3A = arith.constant 2 : i32
      %ge3A_33 = arith.cmpi sge, %add3A_23, %ge3A : i32
      %convert_element_type3A_34 = arith.extui %ge3A_33 : i1 to i32
      %cond3A_35 = arith.constant 0 : i32
      %cond3A_36 = arith.cmpi ne, %convert_element_type3A_34, %cond3A_35 : i32
      scf.if %cond3A_36 {
        %mul3A_71 = arith.constant 100 : i32
        %mul3A_72 = arith.muli %mul3A_2, %mul3A_71 : i32
        %dma_wait3A_73 = tpu.memref_slice %arg4[%mul3A_72] : memref<81920000xf32, #tpu.memory_space<hbm>> -> memref<51200xf32, #tpu.memory_space<hbm>>
        %dma_wait3A_74 = tpu.memref_slice %arg4[%mul3A_72] : memref<81920000xf32, #tpu.memory_space<hbm>> -> memref<51200xf32, #tpu.memory_space<hbm>>
        tpu.wait_dma2 semaphore(%arg12 : memref<!tpu.dma_semaphore, #tpu.memory_space<semaphore_mem>>) src(%arg8 : memref<51200xf32, #tpu.memory_space<vmem>>) dst(%dma_wait3A_74 : memref<51200xf32, #tpu.memory_space<hbm>>)
      } else {
      }
      %parallel_loop3A = arith.constant 0 : i32
      %parallel_loop3A_37 = arith.constant 32 : i32
      %parallel_loop3A_38 = arith.constant 1 : i32
      scf.for %parallel_loop3A_71 = %parallel_loop3A to %parallel_loop3A_37 step %parallel_loop3A_38  : i32 {
        %parallel_loop3A_72 = arith.constant 16 : i32
        %parallel_loop3A_73 = arith.muli %parallel_loop3A_71, %parallel_loop3A_72 : i32
        %parallel_loop3A_74 = arith.index_cast %parallel_loop3A_73 : i32 to index
        %parallel_loop3A_75 = tpu.vector_load %arg6[%parallel_loop3A_74] {strides = array<i32>} : memref<512xi32, #tpu.memory_space<vmem>>, vector<16xi32>,
        %parallel_loop3A_76 = arith.constant 100 : i32
        %parallel_loop3A_77 = vector.broadcast %parallel_loop3A_76 : i32 to vector<16xi32>
        %parallel_loop3A_78 = arith.muli %parallel_loop3A_75, %parallel_loop3A_77 : vector<16xi32>
        %parallel_loop3A_79 = arith.constant 1600 : i32
        %parallel_loop3A_80 = arith.muli %parallel_loop3A_71, %parallel_loop3A_79 : i32
        %parallel_loop3A_81 = vector.broadcast %parallel_loop3A_80 : i32 to vector<16xi32>
        %parallel_loop3A_82 = arith.addi %mul3A_5, %parallel_loop3A_81 : vector<16xi32>
        %parallel_loop3A_83 = arith.constant 0 : i32
        %parallel_loop3A_84 = arith.constant 100 : i32
        %parallel_loop3A_85 = arith.constant 1 : i32
        scf.for %parallel_loop3A_86 = %parallel_loop3A_83 to %parallel_loop3A_84 step %parallel_loop3A_85  : i32 {
          %parallel_loop3A_87 = vector.broadcast %parallel_loop3A_86 : i32 to vector<16xi32>
          %parallel_loop3A_88 = arith.addi %parallel_loop3A_78, %parallel_loop3A_87 : vector<16xi32>
          %parallel_loop3A_89 = tpu.vector_load_idx %arg5[%parallel_loop3A_88] : memref<10000xf32, #tpu.memory_space<vmem>>[vector<16xi32>], vector<16xf32>,
          %parallel_loop3A_90 = vector.broadcast %parallel_loop3A_86 : i32 to vector<16xi32>
          %parallel_loop3A_91 = arith.addi %parallel_loop3A_82, %parallel_loop3A_90 : vector<16xi32>
          tpu.vector_store_idx %arg8[%parallel_loop3A_91], %parallel_loop3A_89 : memref<51200xf32, #tpu.memory_space<vmem>>[vector<16xi32>], vector<16xf32>,
        } {sc.loop_unroll_factor = 8 : i64, sc.parallel_access}
      } {sc.loop_unroll_factor = 1 : i64, sc.parallel_access}
      %mul3A_39 = arith.constant 100 : i32
      %mul3A_40 = arith.muli %add3A_26, %mul3A_39 : i32
      %dma_start3A_41 = tpu.memref_slice %arg4[%mul3A_40] : memref<81920000xf32, #tpu.memory_space<hbm>> -> memref<51200xf32, #tpu.memory_space<hbm>>
      %dma_start3A_42 = tpu.memref_slice %arg4[%mul3A_40] : memref<81920000xf32, #tpu.memory_space<hbm>> -> memref<51200xf32, #tpu.memory_space<hbm>>
      tpu.enqueue_dma source(%arg8 : memref<51200xf32, #tpu.memory_space<vmem>>) target(%dma_start3A_42 : memref<51200xf32, #tpu.memory_space<hbm>>) target_semaphore(%arg12 : memref<!tpu.dma_semaphore, #tpu.memory_space<semaphore_mem>>)
      %mul3A_43 = arith.constant 2 : i32
      %mul3A_44 = arith.muli %mul3A_43, %scan3A_19 : i32
      %add3A_45 = arith.constant 1 : i32
      %add3A_46 = arith.addi %mul3A_44, %add3A_45 : i32
      %mul3A_47 = arith.constant 512 : i32
      %mul3A_48 = arith.muli %add3A_46, %mul3A_47 : i32
      %add3A_49 = arith.addi %mul3A_2, %mul3A_48 : i32
      %dma_wait3A_50 = tpu.memref_slice %arg2[%mul3A_2] : memref<819200xi32, #tpu.memory_space<hbm>> -> memref<512xi32, #tpu.memory_space<hbm>>
      %dma_wait3A_51 = tpu.memref_slice %arg2[%mul3A_2] : memref<819200xi32, #tpu.memory_space<hbm>> -> memref<512xi32, #tpu.memory_space<hbm>>
      tpu.wait_dma2 semaphore(%arg11 : memref<!tpu.dma_semaphore, #tpu.memory_space<semaphore_mem>>) src(%dma_wait3A_51 : memref<512xi32, #tpu.memory_space<hbm>>) dst(%arg7 : memref<512xi32, #tpu.memory_space<vmem>>)
      %add3A_52 = arith.constant 1 : i32
      %add3A_53 = arith.addi %add3A_46, %add3A_52 : i32
      %lt3A_54 = arith.constant 50 : i32
      %lt3A_55 = arith.cmpi slt, %add3A_53, %lt3A_54 : i32
      %convert_element_type3A_56 = arith.extui %lt3A_55 : i1 to i32
      %cond3A_57 = arith.constant 0 : i32
      %cond3A_58 = arith.cmpi ne, %convert_element_type3A_56, %cond3A_57 : i32
      scf.if %cond3A_58 {
        %add3A_71 = arith.constant 512 : i32
        %add3A_72 = arith.addi %add3A_49, %add3A_71 : i32
        %dma_start3A_73 = tpu.memref_slice %arg2[%add3A_72] : memref<819200xi32, #tpu.memory_space<hbm>> -> memref<512xi32, #tpu.memory_space<hbm>>
        %dma_start3A_74 = tpu.memref_slice %arg2[%add3A_72] : memref<819200xi32, #tpu.memory_space<hbm>> -> memref<512xi32, #tpu.memory_space<hbm>>
        tpu.enqueue_dma source(%dma_start3A_74 : memref<512xi32, #tpu.memory_space<hbm>>) target(%arg6 : memref<512xi32, #tpu.memory_space<vmem>>) target_semaphore(%arg10 : memref<!tpu.dma_semaphore, #tpu.memory_space<semaphore_mem>>)
      } else {
      }
      %ge3A_59 = arith.constant 2 : i32
      %ge3A_60 = arith.cmpi sge, %add3A_46, %ge3A_59 : i32
      %convert_element_type3A_61 = arith.extui %ge3A_60 : i1 to i32
      %cond3A_62 = arith.constant 0 : i32
      %cond3A_63 = arith.cmpi ne, %convert_element_type3A_61, %cond3A_62 : i32
      scf.if %cond3A_63 {
        %mul3A_71 = arith.constant 100 : i32
        %mul3A_72 = arith.muli %mul3A_2, %mul3A_71 : i32
        %dma_wait3A_73 = tpu.memref_slice %arg4[%mul3A_72] : memref<81920000xf32, #tpu.memory_space<hbm>> -> memref<51200xf32, #tpu.memory_space<hbm>>
        %dma_wait3A_74 = tpu.memref_slice %arg4[%mul3A_72] : memref<81920000xf32, #tpu.memory_space<hbm>> -> memref<51200xf32, #tpu.memory_space<hbm>>
        tpu.wait_dma2 semaphore(%arg13 : memref<!tpu.dma_semaphore, #tpu.memory_space<semaphore_mem>>) src(%arg9 : memref<51200xf32, #tpu.memory_space<vmem>>) dst(%dma_wait3A_74 : memref<51200xf32, #tpu.memory_space<hbm>>)
      } else {
      }
      %parallel_loop3A_64 = arith.constant 0 : i32
      %parallel_loop3A_65 = arith.constant 32 : i32
      %parallel_loop3A_66 = arith.constant 1 : i32
      scf.for %parallel_loop3A_71 = %parallel_loop3A_64 to %parallel_loop3A_65 step %parallel_loop3A_66  : i32 {
        %parallel_loop3A_72 = arith.constant 16 : i32
        %parallel_loop3A_73 = arith.muli %parallel_loop3A_71, %parallel_loop3A_72 : i32
        %parallel_loop3A_74 = arith.index_cast %parallel_loop3A_73 : i32 to index
        %parallel_loop3A_75 = tpu.vector_load %arg7[%parallel_loop3A_74] {strides = array<i32>} : memref<512xi32, #tpu.memory_space<vmem>>, vector<16xi32>,
        %parallel_loop3A_76 = arith.constant 100 : i32
        %parallel_loop3A_77 = vector.broadcast %parallel_loop3A_76 : i32 to vector<16xi32>
        %parallel_loop3A_78 = arith.muli %parallel_loop3A_75, %parallel_loop3A_77 : vector<16xi32>
        %parallel_loop3A_79 = arith.constant 1600 : i32
        %parallel_loop3A_80 = arith.muli %parallel_loop3A_71, %parallel_loop3A_79 : i32
        %parallel_loop3A_81 = vector.broadcast %parallel_loop3A_80 : i32 to vector<16xi32>
        %parallel_loop3A_82 = arith.addi %mul3A_5, %parallel_loop3A_81 : vector<16xi32>
        %parallel_loop3A_83 = arith.constant 0 : i32
        %parallel_loop3A_84 = arith.constant 100 : i32
        %parallel_loop3A_85 = arith.constant 1 : i32
        scf.for %parallel_loop3A_86 = %parallel_loop3A_83 to %parallel_loop3A_84 step %parallel_loop3A_85  : i32 {
          %parallel_loop3A_87 = vector.broadcast %parallel_loop3A_86 : i32 to vector<16xi32>
          %parallel_loop3A_88 = arith.addi %parallel_loop3A_78, %parallel_loop3A_87 : vector<16xi32>
          %parallel_loop3A_89 = tpu.vector_load_idx %arg5[%parallel_loop3A_88] : memref<10000xf32, #tpu.memory_space<vmem>>[vector<16xi32>], vector<16xf32>,
          %parallel_loop3A_90 = vector.broadcast %parallel_loop3A_86 : i32 to vector<16xi32>
          %parallel_loop3A_91 = arith.addi %parallel_loop3A_82, %parallel_loop3A_90 : vector<16xi32>
          tpu.vector_store_idx %arg9[%parallel_loop3A_91], %parallel_loop3A_89 : memref<51200xf32, #tpu.memory_space<vmem>>[vector<16xi32>], vector<16xf32>,
        } {sc.loop_unroll_factor = 8 : i64, sc.parallel_access}
      } {sc.loop_unroll_factor = 1 : i64, sc.parallel_access}
      %mul3A_67 = arith.constant 100 : i32
      %mul3A_68 = arith.muli %add3A_49, %mul3A_67 : i32
      %dma_start3A_69 = tpu.memref_slice %arg4[%mul3A_68] : memref<81920000xf32, #tpu.memory_space<hbm>> -> memref<51200xf32, #tpu.memory_space<hbm>>
      %dma_start3A_70 = tpu.memref_slice %arg4[%mul3A_68] : memref<81920000xf32, #tpu.memory_space<hbm>> -> memref<51200xf32, #tpu.memory_space<hbm>>
      tpu.enqueue_dma source(%arg9 : memref<51200xf32, #tpu.memory_space<vmem>>) target(%dma_start3A_70 : memref<51200xf32, #tpu.memory_space<hbm>>) target_semaphore(%arg13 : memref<!tpu.dma_semaphore, #tpu.memory_space<semaphore_mem>>)
    }
    %scan3A_11 = arith.constant 25 : i32
    %mul3A_12 = arith.constant 100 : i32
    %mul3A_13 = arith.muli %mul3A_2, %mul3A_12 : i32
    %dma_wait3A = tpu.memref_slice %arg4[%mul3A_13] : memref<81920000xf32, #tpu.memory_space<hbm>> -> memref<51200xf32, #tpu.memory_space<hbm>>
    %dma_wait3A_14 = tpu.memref_slice %arg4[%mul3A_13] : memref<81920000xf32, #tpu.memory_space<hbm>> -> memref<51200xf32, #tpu.memory_space<hbm>>
    tpu.wait_dma2 semaphore(%arg12 : memref<!tpu.dma_semaphore, #tpu.memory_space<semaphore_mem>>) src(%arg8 : memref<51200xf32, #tpu.memory_space<vmem>>) dst(%dma_wait3A_14 : memref<51200xf32, #tpu.memory_space<hbm>>)
    %mul3A_15 = arith.constant 100 : i32
    %mul3A_16 = arith.muli %mul3A_2, %mul3A_15 : i32
    %dma_wait3A_17 = tpu.memref_slice %arg4[%mul3A_16] : memref<81920000xf32, #tpu.memory_space<hbm>> -> memref<51200xf32, #tpu.memory_space<hbm>>
    %dma_wait3A_18 = tpu.memref_slice %arg4[%mul3A_16] : memref<81920000xf32, #tpu.memory_space<hbm>> -> memref<51200xf32, #tpu.memory_space<hbm>>
    tpu.wait_dma2 semaphore(%arg13 : memref<!tpu.dma_semaphore, #tpu.memory_space<semaphore_mem>>) src(%arg9 : memref<51200xf32, #tpu.memory_space<vmem>>) dst(%dma_wait3A_18 : memref<51200xf32, #tpu.memory_space<hbm>>)
    return
  }
}

</mosaic_0001>

<sc_bundles>
// kernel: kernel.3.cloned.1.call-start
scs
__scs_entry_jumppad:
0x0: {  	(pc) =	sbr.rel $0x88, $3  }
0x1: {  	(tag) =	ssettag $0x0;
	lr =	simm.s32 $0x1  }
0x2: {  	[smem:$0x3F9F] =	sst lr;
	_ =	strace $0xD0000000  }
0x3: {  	_ = 	snop  }
0x4: {  	_ = 	snop  }
0x5: {  	_ = 	snop  }
0x6: {  	_ = 	snop  }
0x7: {  	_ = 	snop  }
__scs_overlays_trampoline_lowered:
0x8: {  	[smem:$0x3FAE] =	sst s0  }
0x9: {  	[smem:$0x3FAF] =	sst s1  }
0xa: {  	[smem:$0x3FB0] =	sst s2  }
0xb: {  	[smem:$0x3FB1] =	sst s3  }
0xc: {  	[smem:$0x3FB2] =	sst s4  }
0xd: {  	[smem:$0x3FB3] =	sst s5  }
0xe: {  	[smem:$0x3FB4] =	sst s6  }
0xf: {  	[smem:$0x3FB5] =	sst s7  }
0x10: {  	[smem:$0x3FB6] =	sst s8  }
0x11: {  	[smem:$0x3FB7] =	sst s9;
	s0 =	simm.s32 @!p0 $0x0  }
0x12: {  	s1 =	sld [smem:$0x3F9D];
	s0 =	simm.s32 @p0 $0x1  }
0x13: {  	[smem:$0x3FB8] =	sst s0;
	s0 =	simm.s32 @!p1 $0x0  }
0x14: {  	s2 =	sld [smem:$0x3F9C];
	s0 =	simm.s32 @p1 $0x1  }
0x15: {  	[smem:$0x3FB9] =	sst s0;
	s0 =	simm.s32 @!p2 $0x0  }
0x16: {  	s3 =	sld [smem:$0x3FDB];
	s0 =	simm.s32 @p2 $0x1  }
0x17: {  	s4 =	simm.s32 $0x1BF5;
	[smem:$0x3FBB] =	sst s0  }
0x18: {  	s0 =	sld [smem:$0x3F9E];
	_ =	swait.ge [sflag:s4], $0x0  }
0x19: {  	s7 =	sld [smem:$0x3F9F]  }
0x1a: {  	s8 =	sadd.s32 $0xFFFFE003, lr  }
0x1b: {  	s9 =	sadd.s32 $0xFFFFFEF7, lr;
	s5 =	simm.s32 $0xFFFFFFFF;
	p2 =	slt.u32 s8, $0xFFFFF086  }
0x1c: {  	p1 =	slt.u32 s9, $0xF7A;
	s5 =	simm.s32 @!p2 $0x0  }
0x1d: {  	s5 =	simm.s32 @p1 $0x1;
	p0 =	seq.s32 s7, s2  }
0x1e: {  	s7 =	smul.u32 @!p0 $0xF7A, s2;
	p2 =	seq.s32 @!p0 s5, $0x0  }
0x1f: {  	s9 =	smul.u32 $0xF7A, s1;
	s8 =	simm.s32 @!p0 $0x1BF5;
	p2 =	por !p2, p0  }
0x20: {  	[sflag:s8] =	ssyncset.s32 @!p0 $0xFFFFF086;
	s6 =	sadd.s32 @!p0 s3, s7;
	s7 =	simm.s32 @!p0 $0x108  }
0x21: {  	s3 =	sadd.s32 s3, s9;
	s6 =	sadd.s32 @!p0 $0x88, s6;
	s7 =	simm.s32 @p2 $0x1082  }
0x22: {  	[simem:s7], [sflag:s8] =	dma.local @!p0 [hbm:s6], $0xF7A  }
0x23: {  	s9 =	sor.u32 $0xD0000000, s2;
	s6 =	simm.s32 $0x108;
	_ =	swait.ge @!p0 [sflag:s8], $0x0  }
0x24: {  	s3 =	sadd.s32 $0x88, s3;
	s6 =	simm.s32 @!p1 $0x1082;
	[sflag:s4] =	ssyncset.s32 $0xFFFFF086  }
0x25: {  	[simem:s6], [sflag:s4] =	dma.local [hbm:s3], $0xF7A  }
0x26: {  	[smem:$0x3F9F] =	sst s1;
	(tag) =	ssettag s2;
	_ =	strace s9  }
0x27: {  	s1 =	sld [smem:$0x3FAF]  }
0x28: {  	s2 =	sld [smem:$0x3FB0]  }
0x29: {  	s4 =	sld [smem:$0x3FB2]  }
0x2a: {  	p0 =	seq.s32 s5, $0x0;
	s5 =	sld [smem:$0x3FB3]  }
0x2b: {  	s6 =	sld [smem:$0x3FB4]  }
0x2c: {  	s7 =	sld [smem:$0x3FB5]  }
0x2d: {  	s3 =	simm.s32 $0x108;
	s8 =	sld [smem:$0x3FB6]  }
0x2e: {  	s3 =	simm.s32 @!p0 $0x1082;
	s9 =	sld [smem:$0x3FB7]  }
0x2f: {  	lr =	sadd.s32 s0, s3;
	s0 =	sld [smem:$0x3FAE]  }
0x30: {  	s3 =	sld [smem:$0x3FB1]  }
0x31: {  	[smem:$0x3FBA] =	sst s10  }
0x32: {  	s10 =	sld [smem:$0x3FB8];
	_ =	sdelay $0x3  }
0x33: {  	p0 =	seq.s32 s10, $0x1;
	s10 =	sld [smem:$0x3FBA];
	_ =	sdelay $0x3  }
0x34: {  	[smem:$0x3FBA] =	sst s10  }
0x35: {  	s10 =	sld [smem:$0x3FB9];
	_ =	sdelay $0x3  }
0x36: {  	p1 =	seq.s32 s10, $0x1;
	s10 =	sld [smem:$0x3FBA];
	_ =	sdelay $0x3  }
0x37: {  	[smem:$0x3FBA] =	sst s10  }
0x38: {  	s10 =	sld [smem:$0x3FBB]  }
0x39: {  	_ = 	snop;
	(pc) =	sbr.ind lr, $3  }
0x3a: {  	_ = 	snop  }
0x3b: {  	_ = 	snop  }
0x3c: {  	p2 =	seq.s32 s10, $0x1;
	s10 =	sld [smem:$0x3FBA]  }
0x3d: {  	_ =	shalt  }
0x3e: {  	_ =	shalt  }
0x3f: {  	_ =	shalt  }
0x40: {  	_ =	shalt  }
0x41: {  	_ =	shalt  }
0x42: {  	_ =	shalt  }
0x43: {  	_ =	shalt  }
0x44: {  	_ =	shalt  }
0x45: {  	_ =	shalt  }
0x46: {  	_ =	shalt  }
0x47: {  	_ =	shalt  }
0x48: {  	_ =	shalt  }
0x49: {  	_ =	shalt  }
0x4a: {  	_ =	shalt  }
0x4b: {  	_ =	shalt  }
0x4c: {  	_ =	shalt  }
0x4d: {  	_ =	shalt  }
0x4e: {  	_ =	shalt  }
0x4f: {  	_ =	shalt  }
0x50: {  	_ =	shalt  }
0x51: {  	_ =	shalt  }
0x52: {  	_ =	shalt  }
0x53: {  	_ =	shalt  }
0x54: {  	_ =	shalt  }
0x55: {  	_ =	shalt  }
0x56: {  	_ =	shalt  }
0x57: {  	_ =	shalt  }
0x58: {  	_ =	shalt  }
0x59: {  	_ =	shalt  }
0x5a: {  	_ =	shalt  }
0x5b: {  	_ =	shalt  }
0x5c: {  	_ =	shalt  }
0x5d: {  	_ =	shalt  }
0x5e: {  	_ =	shalt  }
0x5f: {  	_ =	shalt  }
0x60: {  	_ =	shalt  }
0x61: {  	_ =	shalt  }
0x62: {  	_ =	shalt  }
0x63: {  	_ =	shalt  }
0x64: {  	_ =	shalt  }
0x65: {  	_ =	shalt  }
0x66: {  	_ =	shalt  }
0x67: {  	_ =	shalt  }
0x68: {  	_ =	shalt  }
0x69: {  	_ =	shalt  }
0x6a: {  	_ =	shalt  }
0x6b: {  	_ =	shalt  }
0x6c: {  	_ =	shalt  }
0x6d: {  	_ =	shalt  }
0x6e: {  	_ =	shalt  }
0x6f: {  	_ =	shalt  }
0x70: {  	_ =	shalt  }
0x71: {  	_ =	shalt  }
0x72: {  	_ =	shalt  }
0x73: {  	_ =	shalt  }
0x74: {  	_ =	shalt  }
0x75: {  	_ =	shalt  }
0x76: {  	_ =	shalt  }
0x77: {  	_ =	shalt  }
0x78: {  	_ =	shalt  }
0x79: {  	_ =	shalt  }
0x7a: {  	_ =	shalt  }
0x7b: {  	_ =	shalt  }
0x7c: {  	_ =	shalt  }
0x7d: {  	_ =	shalt  }
0x7e: {  	_ =	shalt  }
0x7f: {  	_ =	shalt  }
0x80: {  	_ =	shalt  }
0x81: {  	_ =	shalt  }
0x82: {  	_ =	shalt  }
0x83: {  	_ =	shalt  }
0x84: {  	_ =	shalt  }
0x85: {  	_ =	shalt  }
0x86: {  	_ =	shalt  }
0x87: {  	_ =	shalt  }
.Lfunc_end0:
.L_simem_size_0:
called_computation.1_lowered:
.L_overlay_start_0:
0x88: {  	s2 =	sld [smem:$0x3FD9]  }
0x89: {  	s3 =	sld [smem:$0x3FFE];
	_ =	sdelay $0x1  }
0x8a: {  	s1 =	srdreg.scid  }
0x8b: {  	s0 =	sand.u32 $0x1, s1  }
0x8c: {  	s17 =	sshll.u32 s0, $0xA;
	s2 =	sadd.s32 s3, s2  }
0x8d: {  	s2 =	sadd.s32 s2, s17  }
0x8e: {  	[smem:$0x3FC6] =	sst s2  }
0x8f: {  	_ = 	snop  }
0x90: {  	s2 =	sld [smem:$0x3FD0];
	(tm) =	ssettm $0x1  }
0x91: {  	s18 =	sld [smem:$0x3FFB];
	_ =	sdelay $0x3  }
0x92: {  	_ =	strace s18  }
0x93: {  	s3 =	sld [smem:$0x3FFC];
	_ =	sdelay $0x3  }
0x94: {  	_ =	strace s3  }
0x95: {  	s3 =	sld [smem:$0x3FFD];
	_ =	sdelay $0x3  }
0x96: {  	_ =	strace s3  }
0x97: {  	_ =	strace $0x8FFFFFFF  }
0x98: {  	s19 =	sld [smem:$0x3FDB];
	_ =	sdelay $0x1  }
0x99: {  	s4 =	simm.s32 $_scs_section_size  }
0x9a: {  	s5 =	simm.s32 $_size__tile_overlayer_lowered;
	s6 =	simm.s32 $_tile_overlayer_lowered  }
0x9b: {  	s22 =	simm.s32 $0x1BFF;
	s21 =	sshll.u32 s6, $0x1;
	s3 =	sadd.s32 s4, s19  }
0x9c: {  	s7 =	simm.s32 $0x0;
	s20 =	sshll.u32 s5, $0x1;
	s5 =	sadd.s32 s21, s3  }
0x9d: {  	[timem:s7], [sflag:s22] =	dma.local [hbm:s5], s20  }
0x9e: {  	_ =	swait.ge [sflag:s22], s20  }
0x9f: {  	s4 =	ssub.s32 $0x0, s20;
	[sflag:s22] =	ssyncset.done $0x0  }
0xa0: {  	[sflag:s22] =	ssyncadd.s32 s4;
	_ =	sdelay $0x1  }
0xa1: {  	s23 =	simm.s32 $0x1B8B  }
0xa2: {  	_ =	swait.ge [sflag:s23], $0x1  }
0xa3: {  	[sflag:s23] =	ssyncset.done $0x0  }
0xa4: {  	s25 =	simm.s32 $0x1B8E;
	s24 =	sld [smem:$0x3FFE];
	[sflag:s23] =	ssyncadd.s32 $0xFFFFFFFF  }
0xa5: {  	s26 =	simm.s32 $execute0_lowered;
	[smem:$0x3FD2] =	sst s25  }
0xa6: {  	s5 =	sshll.u32 s26, $0x1;
	_ =	strace $0x80000046;
	[dreg:$0x1] =	wrdreg $0xFFFFFFFF  }
0xa7: {  	s28 =	simm.s32 $_size_execute0_lowered;
	s3 =	sadd.s32 s3, s5;
	[dreg:$0x0] =	wrdreg $0x0  }
0xa8: {  	s5 =	sshll.u32 s28, $0x1;
	[dreg:$0x2] =	wrdreg s3  }
0xa9: {  	[dreg:$0x3] =	wrdreg s5  }
0xaa: {  	[dreg:$0x4] =	wrdreg $0xC0  }
0xab: {  	_ =	task [dreg:s7], $0x5FFFF  }
0xac: {  	[dreg:$0x1] =	wrdreg $0xFFFFFFFF  }
0xad: {  	[dreg:$0x0] =	wrdreg $0x60  }
0xae: {  	[dreg:$0x2] =	wrdreg s24  }
0xaf: {  	[dreg:$0x3] =	wrdreg s2  }
0xb0: {  	[dreg:$0x4] =	wrdreg $0x9  }
0xb1: {  	_ =	task.clear_ibuf [dreg:s7], $0x5FFFF;
	_ =	strace $0x90000046  }
0xb2: {  	s29 =	simm.s32 $0x9;
	_ =	strace $0x80000048  }
0xb3: {  	_ =	swait.ge [sflag:s29], $0x1  }
0xb4: {  	[sflag:s29] =	ssyncadd.s32 $0xFFFFFFFF  }
0xb5: {  	_ =	strace $0x90000048  }
0xb6: {  	_ =	sfence  }
0xb7: {  	s30 =	sld [smem:$0x0];
	_ =	sdelay $0x2  }
0xb8: {  	s31 =	sshll.u32 s1, $0xD;
	s1 =	sshrl.u32 s1, $0x2  }
0xb9: {  	s3 =	sand.u32 $0x4000, s31;
	s1 =	sadd.s32 s1, s30  }
0xba: {  	s0 =	sor.u32 s3, s0;
	s1 =	sshll.u32 s1, $0x11  }
0xbb: {  	s0 =	sor.u32 s1, s0  }
0xbc: {  	s0 =	sadd.s32 $0x8F2B, s0  }
0xbd: {  	[sflag:s0] =	ssyncadd.remote.s32 $0x1  }
0xbe: {  	_ =	sfence.sel $0xFFFF  }
0xbf: {  	[dreg:$0x0] =	wrdreg $0xFFFFFFFF;
	(pc) =	sbr.abs _section_cstart, $3  }
0xc0: {  	[dreg:$0x1] =	wrdreg $0xFFFFFFFF  }
0xc1: {  	_ =	task.clear_ibuf [dreg:s7], $0x2FFFF;
	_ =	strace $0x9FFFFFFF  }
0xc2: {  	(tm) =	ssettm $0x7FFFFFFF  }
0xc3: {  	_ =	shalt  }
tec
execute0_lowered:
.L_overlay_start_1:
0x0: {  	(tag) =	ssettag $0x1  }
0x1: {  	s0 =	rddreg [dreg:$0x0];
	s1 =	srdreg.scid  }
0x2: {  	s3 =	stileid.u32;
	s2 =	rddreg [dreg:$0x1];
	s12 =	simm.s32 $0x1  }
0x3: {  	s13 =	simm.s32 $0x2980;
	s14 =	simm.s32 $0x2B80;
	s15 =	simm.s32 $0x2  }
0x4: {  	s16 =	simm.s32 $0xF380;
	s17 =	simm.s32 $0x3;
	s18 =	simm.s32 $0x4  }
0x5: {  	s1 =	sand.u32 $0x1, s1;
	s4 =	sshll.u32 s3, $0x1;
	s3 =	simm.s32 $0x0  }
0x6: {  	s5 =	sadd.s32 $0xE00, s0;
	s4 =	sor.u32 s1, s4;
	s1 =	ssub.s32 $0x2, s1  }
0x7: {  	[smem:$0x7FF] =	sst s3;
	s4 =	smul.u32 $0x6400, s4;
	s7 =	sshrl.u32 s1, $0x1  }
0x8: {  	s6 =	sadd.s32 $0x800, s0;
	_ =	strace $0x80000047;
	s1 =	ssub.s32 s1, s7  }
0x9: {  	[dreg:$0x3] =	wrdreg s6;
	s8 =	sshrl.u32 s4, $0x3;
	s31 =	smax.u32 s1, $0x1  }
0xa: {  	v0 =	vlaneseq.u32;
	s19 =	simm.s32 $0x0;
	s30 =	sadd.s32 s5, s8;
	[dreg:$0x5] =	wrdreg s31  }
0xb: {  	s10 =	simm.s32 $0x8;
	v0 =	vmul.u32 $0x64, v0;
	s8 =	sadd.s32 $0xE40, s0;
	[dreg:$0x4] =	wrdreg s30  }
.LBB2_1:
0xc: {  	s0 =	rddreg [dreg:$0x3];
	s30 =	simm.s32 $0x5  }
0xd: {  	[tilespmem:s3], [sflag:$0x5] =	stream.linear.gather [hbm4b:s0+s3], $0x2780, $0x38;
	[tilespmem:$0x1BB80] =	vst v63  }
0xe: {  	_ =	swait.ge [sflag:s30], $0x2780  }
0xf: {  	s1 =	simm.s32 $0x2780;
	[sflag:s30] =	ssyncset.done $0x0  }
0x10: {  	s20 =	simm.s32 $0x0;
	s31 =	rddreg [dreg:$0x4];
	[sflag:s30] =	ssyncadd.s32 $0xFFFFD880  }
0x11: {  	[tilespmem:s1], [sflag:$0x1] =	stream.linear.gather [hbm4b:s31+s3], $0x200, $0x38;
	[tilespmem:$0x1BB80] =	vst v63  }
.LBB2_2:
0x12: {  	s21 =	sshll.u32 s20, $0xA  }
0x13: {  	_ =	swait.ge [sflag:s12], $0x200;
	s22 =	sadd.s32 s4, s21  }
0x14: {  	[sflag:s12] =	ssyncset.done $0x0;
	s0 =	sshrl.u32 s22, $0x3  }
0x15: {  	p0 =	seq.s32 s20, $0x0;
	[sflag:s12] =	ssyncadd.s32 $0xFFFFFE00;
	s0 =	sadd.s32 s0, s8  }
0x16: {  	[tilespmem:s13], [sflag:$0x2] =	stream.linear.gather [hbm4b:s0+s3], $0x200, $0x38;
	[tilespmem:$0x1BB80] =	vst v63  }
0x17: {  	s0 =	simm.s32 @!p0 $0x3  }
0x18: {  	_ =	swait.ge @!p0 [sflag:s0], $0xC800  }
0x19: {  	[sflag:s0] =	ssyncset.done @!p0 $0x0  }
0x1a: {  	s23 =	simm.s32 $0x0;
	s24 =	simm.s32 $0x0;
	[sflag:s0] =	ssyncadd.s32 @!p0 $0xFFFF3800  }
.LBB2_3:
0x1b: {  	s0 =	sshll.u32 s24, $0x4  }
0x1c: {  	s0 =	sand.u32 $0x3FFFFFF0, s0  }
0x1d: {  	v1 =	vld [tilespmem:s0+$0x2780];
	_ =	sdelay $0x4  }
0x1e: {  	v1 =	vmul.u32 $0x64, v1;
	_ =	sdelay $0x1  }
0x1f: {  	s26 =	simm.s32 $0x7;
	v3 =	vadd.s32 s23, v1  }
0x20: {  	s1 =	simm.s32 $0x6;
	v4 =	vadd.s32 s26, v1  }
0x21: {  	s11 =	simm.s32 $0x5;
	v5 =	vadd.s32 s1, v1  }
0x22: {  	s25 =	smul.u32 $0x640, s24;
	s29 =	simm.s32 $0x4;
	v6 =	vadd.s32 s11, v1  }
0x23: {  	s31 =	simm.s32 $0x3;
	v7 =	vadd.s32 s29, v1  }
0x24: {  	s6 =	simm.s32 $0x2;
	v2 =	vadd.s32 s25, v0;
	v10 =	vadd.s32 s31, v1;
	v9 =	vld.idx.msk [tilespmem:v3+s3+$0x0], $0xffff  }
0x25: {  	s7 =	simm.s32 $0x1;
	v12 =	vadd.s32 s23, v2;
	v13 =	vadd.s32 s6, v1;
	v15 =	vld.idx.msk [tilespmem:v4+s3+$0x0], $0xffff  }
0x26: {  	s9 =	simm.s32 $0x8;
	v16 =	vadd.s32 s26, v2;
	v14 =	vadd.s32 s7, v1;
	v17 =	vld.idx.msk [tilespmem:v5+s3+$0x0], $0xffff  }
0x27: {  	s28 =	simm.s32 $0xF;
	v20 =	vadd.s32 s1, v2;
	v18 =	vadd.s32 s9, v1;
	v19 =	vld.idx.msk [tilespmem:v6+s3+$0x0], $0xffff  }
0x28: {  	s25 =	simm.s32 $0xE;
	v22 =	vadd.s32 s11, v2;
	v21 =	vadd.s32 s28, v1;
	v3 =	vld.idx.msk [tilespmem:v7+s3+$0x0], $0xffff  }
0x29: {  	v11 =	vadd.s32 s29, v2;
	s26 =	simm.s32 $0xD;
	v8 =	vadd.s32 s25, v1;
	v4 =	vld.idx.msk [tilespmem:v10+s3+$0x0], $0xffff  }
0x2a: {  	s30 =	simm.s32 $0xC;
	v10 =	vadd.s32 s26, v1;
	v5 =	vld.idx.msk [tilespmem:v13+s3+$0x0], $0xffff;
	v13 =	vadd.s32 s31, v2;
	[tilespmem:v12+s14+$0x0] =	vst.idx.msk $0xffff, v9  }
0x2b: {  	s29 =	simm.s32 $0xB;
	v6 =	vld.idx.msk [tilespmem:v14+s3+$0x0], $0xffff;
	v14 =	vadd.s32 s6, v2;
	v12 =	vadd.s32 s30, v1;
	[tilespmem:v16+s14+$0x0] =	vst.idx.msk $0xffff, v15  }
0x2c: {  	v7 =	vld.idx.msk [tilespmem:v18+s3+$0x0], $0xffff;
	s31 =	simm.s32 $0xA;
	v18 =	vadd.s32 s7, v2;
	v16 =	vadd.s32 s29, v1;
	[tilespmem:v20+s14+$0x0] =	vst.idx.msk $0xffff, v17  }
0x2d: {  	s1 =	simm.s32 $0x9;
	s11 =	simm.s32 $0x10;
	v15 =	vadd.s32 s9, v2;
	v17 =	vadd.s32 s31, v1;
	v9 =	vld.idx.msk [tilespmem:v21+s3+$0x0], $0xffff;
	[tilespmem:v22+s14+$0x0] =	vst.idx.msk $0xffff, v19  }
.LBB2_4:
0x2e: {  	p0 =	slt.u32 s11, $0x58;
	v19 =	vadd.s32 s1, v1;
	v20 =	vld.idx.msk [tilespmem:v8+s3+$0x0], $0xffff;
	v21 =	vadd.s32 s28, v2;
	[tilespmem:v11+s14+$0x0] =	vst.idx.msk $0xffff, v3  }
0x2f: {  	v22 =	vadd.s32 s11, v1;
	s28 =	sadd.s32 $0x7, s11;
	v24 =	vadd.s32 s25, v2;
	v23 =	vld.idx.msk [tilespmem:v10+s3+$0x0], $0xffff;
	[tilespmem:v13+s14+$0x0] =	vst.idx.msk $0xffff, v4  }
0x30: {  	s25 =	sadd.s32 $0x6, s11;
	v26 =	vadd.s32 s26, v2;
	v25 =	vadd.s32 s28, v1;
	v3 =	vld.idx.msk [tilespmem:v12+s3+$0x0], $0xffff;
	[tilespmem:v14+s14+$0x0] =	vst.idx.msk $0xffff, v5  }
.Ltmp0:
0x31: {  	s26 =	sadd.s32 $0x5, s11;
	v11 =	vadd.s32 s30, v2;
	s0 =	simm.s32 $0x60;
	v8 =	vadd.s32 s25, v1;
	v4 =	vld.idx.msk [tilespmem:v16+s3+$0x0], $0xffff;
	[tilespmem:v18+s14+$0x0] =	vst.idx.msk $0xffff, v6;
	(pc) =	sbr.rel @p0 .LBB2_4-.Ltmp0, $4  }
0x32: {  	s30 =	sadd.s32 $0x4, s11;
	v10 =	vadd.s32 s26, v1;
	v13 =	vadd.s32 s29, v2;
	[tilespmem:v15+s14+$0x0] =	vst.idx.msk $0xffff, v7;
	v5 =	vld.idx.msk [tilespmem:v17+s3+$0x0], $0xffff  }
0x33: {  	s29 =	sadd.s32 $0x3, s11;
	v12 =	vadd.s32 s30, v1;
	v14 =	vadd.s32 s31, v2;
	v6 =	vld.idx.msk [tilespmem:v19+s3+$0x0], $0xffff;
	[tilespmem:v21+s14+$0x0] =	vst.idx.msk $0xffff, v9  }
0x34: {  	s31 =	sadd.s32 $0x2, s11;
	v16 =	vadd.s32 s29, v1;
	v18 =	vadd.s32 s1, v2;
	v7 =	vld.idx.msk [tilespmem:v22+s3+$0x0], $0xffff;
	[tilespmem:v24+s14+$0x0] =	vst.idx.msk $0xffff, v20  }
0x35: {  	s1 =	sadd.s32 $0x1, s11;
	v15 =	vadd.s32 s11, v2;
	v17 =	vadd.s32 s31, v1;
	s11 =	sadd.s32 $0x8, s11;
	v9 =	vld.idx.msk [tilespmem:v25+s3+$0x0], $0xffff;
	[tilespmem:v26+s14+$0x0] =	vst.idx.msk $0xffff, v23  }
0x36: {  	_ =	sdelay $0x3  }
0x37: {  	v19 =	vadd.s32 s28, v2;
	[tilespmem:v11+s14+$0x0] =	vst.idx.msk $0xffff, v3  }
0x38: {  	v3 =	vadd.s32 s1, v1;
	v8 =	vld.idx.msk [tilespmem:v8+s3+$0x0], $0xffff;
	v54 =	vadd.s32 s25, v2;
	[tilespmem:v13+s14+$0x0] =	vst.idx.msk $0xffff, v4  }
0x39: {  	v55 =	vld.idx.msk [tilespmem:v10+s3+$0x0], $0xffff;
	v56 =	vadd.s32 s26, v2;
	[tilespmem:v14+s14+$0x0] =	vst.idx.msk $0xffff, v5  }
0x3a: {  	v57 =	vld.idx.msk [tilespmem:v12+s3+$0x0], $0xffff;
	v58 =	vadd.s32 s30, v2;
	[tilespmem:v18+s14+$0x0] =	vst.idx.msk $0xffff, v6  }
0x3b: {  	v59 =	vld.idx.msk [tilespmem:v16+s3+$0x0], $0xffff;
	v60 =	vadd.s32 s29, v2;
	[tilespmem:v15+s14+$0x0] =	vst.idx.msk $0xffff, v7  }
0x3c: {  	v61 =	vld.idx.msk [tilespmem:v17+s3+$0x0], $0xffff;
	v62 =	vadd.s32 s31, v2;
	[tilespmem:v19+s14+$0x0] =	vst.idx.msk $0xffff, v9  }
0x3d: {  	v63 =	vadd.s32 s1, v2;
	v3 =	vld.idx.msk [tilespmem:v3+s3+$0x0], $0xffff;
	[tilespmem:v54+s14+$0x0] =	vst.idx.msk $0xffff, v8  }
0x3e: {  	[tilespmem:v56+s14+$0x0] =	vst.idx.msk $0xffff, v55  }
0x3f: {  	[tilespmem:v58+s14+$0x0] =	vst.idx.msk $0xffff, v57  }
0x40: {  	[tilespmem:v60+s14+$0x0] =	vst.idx.msk $0xffff, v59  }
0x41: {  	[tilespmem:v62+s14+$0x0] =	vst.idx.msk $0xffff, v61  }
0x42: {  	[tilespmem:v63+s14+$0x0] =	vst.idx.msk $0xffff, v3  }
.LBB2_6:
0x43: {  	v3 =	vadd.s32 s0, v1;
	_ =	sdelay $0x4  }
0x44: {  	v4 =	vadd.s32 s0, v2;
	p0 =	sne.s32 s0, $0x63;
	v3 =	vld.idx.msk [tilespmem:v3+s3+$0x0], $0xffff  }
.Ltmp1:
0x45: {  	_ = 	snop;
	(pc) =	sbr.rel @p0 .LBB2_6-.Ltmp1, $2  }
0x46: {  	_ =	sdelay $0x2  }
0x47: {  	s0 =	sadd.s32 $0x1, s0;
	[tilespmem:v4+s14+$0x0] =	vst.idx.msk $0xffff, v3  }
0x48: {  	s24 =	sadd.s32 $0x1, s24  }
0x49: {  	p0 =	sne.s32 s24, $0x20  }
.Ltmp2:
0x4a: {  	_ = 	snop;
	(pc) =	sbr.rel @p0 .LBB2_3-.Ltmp2, $1  }
0x4b: {  	_ =	sdelay $0x3  }
0x4c: {  	s0 =	smul.u32 $0x64, s22;
	_ =	sdelay $0x1  }
0x4d: {  	s31 =	sadd.s32 s21, s4;
	s0 =	sshrl.u32 s0, $0x3  }
0x4e: {  	p0 =	seq.s32 s20, $0x18;
	s21 =	sadd.s32 $0x200, s31;
	s0 =	sadd.s32 s2, s0  }
0x4f: {  	[hbm4b:s0+s3] =	stream.linear.scatter [tilespmem:s14], [sflag:$0x3], $0xC800, $0x38;
	[tilespmem:$0x1BB80] =	vst v63  }
0x50: {  	p1 =	seq.s32 @!p0 s20, $0x0;
	s0 =	sshrl.u32 @!p0 s21, $0x3;
	_ =	swait.ge [sflag:s15], $0x200  }
0x51: {  	s1 =	simm.s32 @!p0 $0x0;
	s0 =	sadd.s32 @!p0 s5, s0;
	[sflag:s15] =	ssyncset.done $0x0  }
0x52: {  	s6 =	simm.s32 @!p0 $0x2780;
	s0 =	sadd.s32 @!p0 $0x40, s0;
	[sflag:s15] =	ssyncadd.s32 $0xFFFFFE00  }
0x53: {  	[tilespmem:s6], [sflag:$0x1] =	stream.linear.gather @!p0 [hbm4b:s0+s1], $0x200, $0x38;
	[tilespmem:$0x1BB80] =	vst v63  }
0x54: {  	p0 =	por p0, !p1  }
0x55: {  	_ =	swait.ge @p0 [sflag:s18], $0xC800  }
0x56: {  	[sflag:s18] =	ssyncset.done @p0 $0x0  }
0x57: {  	s22 =	simm.s32 $0x0;
	s23 =	simm.s32 $0x0;
	[sflag:s18] =	ssyncadd.s32 @p0 $0xFFFF3800  }
.LBB2_9:
0x58: {  	s0 =	sshll.u32 s23, $0x4  }
0x59: {  	s0 =	sand.u32 $0x3FFFFFF0, s0  }
0x5a: {  	v1 =	vld [tilespmem:s0+$0x2980];
	_ =	sdelay $0x4  }
0x5b: {  	v1 =	vmul.u32 $0x64, v1;
	_ =	sdelay $0x1  }
0x5c: {  	s26 =	simm.s32 $0x7;
	v3 =	vadd.s32 s22, v1  }
0x5d: {  	s1 =	simm.s32 $0x6;
	v4 =	vadd.s32 s26, v1  }
0x5e: {  	s6 =	simm.s32 $0x5;
	v5 =	vadd.s32 s1, v1  }
0x5f: {  	s7 =	smul.u32 $0x640, s23;
	s9 =	simm.s32 $0x4;
	v6 =	vadd.s32 s6, v1  }
0x60: {  	s11 =	simm.s32 $0x3;
	v7 =	vadd.s32 s9, v1  }
0x61: {  	v2 =	vadd.s32 s7, v0;
	s7 =	simm.s32 $0x2;
	v9 =	vadd.s32 s11, v1;
	v10 =	vld.idx.msk [tilespmem:v3+s3+$0x0], $0xffff  }
0x62: {  	s31 =	simm.s32 $0x1;
	v11 =	vadd.s32 s22, v2;
	v13 =	vadd.s32 s7, v1;
	v15 =	vld.idx.msk [tilespmem:v4+s3+$0x0], $0xffff  }
0x63: {  	v17 =	vadd.s32 s26, v2;
	v14 =	vadd.s32 s31, v1;
	v16 =	vld.idx.msk [tilespmem:v5+s3+$0x0], $0xffff  }
0x64: {  	v20 =	vadd.s32 s1, v2;
	v18 =	vadd.s32 s10, v1;
	s26 =	simm.s32 $0xF;
	v19 =	vld.idx.msk [tilespmem:v6+s3+$0x0], $0xffff  }
0x65: {  	s24 =	simm.s32 $0xE;
	v22 =	vadd.s32 s6, v2;
	v21 =	vadd.s32 s26, v1;
	v3 =	vld.idx.msk [tilespmem:v7+s3+$0x0], $0xffff  }
0x66: {  	s25 =	simm.s32 $0xD;
	v12 =	vadd.s32 s9, v2;
	v8 =	vadd.s32 s24, v1;
	v4 =	vld.idx.msk [tilespmem:v9+s3+$0x0], $0xffff  }
0x67: {  	s28 =	simm.s32 $0xC;
	v9 =	vadd.s32 s25, v1;
	v5 =	vld.idx.msk [tilespmem:v13+s3+$0x0], $0xffff;
	v13 =	vadd.s32 s11, v2;
	[tilespmem:v11+s16+$0x0] =	vst.idx.msk $0xffff, v10  }
0x68: {  	s29 =	simm.s32 $0xB;
	v6 =	vld.idx.msk [tilespmem:v14+s3+$0x0], $0xffff;
	v14 =	vadd.s32 s7, v2;
	v11 =	vadd.s32 s28, v1;
	[tilespmem:v17+s16+$0x0] =	vst.idx.msk $0xffff, v15  }
0x69: {  	s30 =	simm.s32 $0xA;
	v7 =	vld.idx.msk [tilespmem:v18+s3+$0x0], $0xffff;
	v15 =	vadd.s32 s29, v1;
	v17 =	vadd.s32 s31, v2;
	[tilespmem:v20+s16+$0x0] =	vst.idx.msk $0xffff, v16  }
0x6a: {  	s0 =	simm.s32 $0x10;
	s1 =	simm.s32 $0x9;
	v18 =	vadd.s32 s30, v1;
	v16 =	vadd.s32 s10, v2;
	v10 =	vld.idx.msk [tilespmem:v21+s3+$0x0], $0xffff;
	[tilespmem:v22+s16+$0x0] =	vst.idx.msk $0xffff, v19  }
.LBB2_10:
0x6b: {  	p0 =	slt.u32 s0, $0x58;
	v19 =	vadd.s32 s1, v1;
	v20 =	vld.idx.msk [tilespmem:v8+s3+$0x0], $0xffff;
	v21 =	vadd.s32 s26, v2;
	[tilespmem:v12+s16+$0x0] =	vst.idx.msk $0xffff, v3  }
0x6c: {  	v22 =	vadd.s32 s0, v1;
	s26 =	sadd.s32 $0x7, s0;
	v24 =	vadd.s32 s24, v2;
	v23 =	vld.idx.msk [tilespmem:v9+s3+$0x0], $0xffff;
	[tilespmem:v13+s16+$0x0] =	vst.idx.msk $0xffff, v4  }
0x6d: {  	s24 =	sadd.s32 $0x6, s0;
	v26 =	vadd.s32 s25, v2;
	v25 =	vadd.s32 s26, v1;
	v3 =	vld.idx.msk [tilespmem:v11+s3+$0x0], $0xffff;
	[tilespmem:v14+s16+$0x0] =	vst.idx.msk $0xffff, v5  }
.Ltmp3:
0x6e: {  	s25 =	sadd.s32 $0x5, s0;
	v12 =	vadd.s32 s28, v2;
	v8 =	vadd.s32 s24, v1;
	v4 =	vld.idx.msk [tilespmem:v15+s3+$0x0], $0xffff;
	[tilespmem:v17+s16+$0x0] =	vst.idx.msk $0xffff, v6;
	(pc) =	sbr.rel @p0 .LBB2_10-.Ltmp3, $4  }
0x6f: {  	s28 =	sadd.s32 $0x4, s0;
	v9 =	vadd.s32 s25, v1;
	v13 =	vadd.s32 s29, v2;
	[tilespmem:v16+s16+$0x0] =	vst.idx.msk $0xffff, v7;
	v5 =	vld.idx.msk [tilespmem:v18+s3+$0x0], $0xffff  }
0x70: {  	s29 =	sadd.s32 $0x3, s0;
	v11 =	vadd.s32 s28, v1;
	v14 =	vadd.s32 s30, v2;
	v6 =	vld.idx.msk [tilespmem:v19+s3+$0x0], $0xffff;
	[tilespmem:v21+s16+$0x0] =	vst.idx.msk $0xffff, v10  }
0x71: {  	s30 =	sadd.s32 $0x2, s0;
	v15 =	vadd.s32 s29, v1;
	v17 =	vadd.s32 s1, v2;
	v7 =	vld.idx.msk [tilespmem:v22+s3+$0x0], $0xffff;
	[tilespmem:v24+s16+$0x0] =	vst.idx.msk $0xffff, v20  }
0x72: {  	s1 =	sadd.s32 $0x1, s0;
	v16 =	vadd.s32 s0, v2;
	v18 =	vadd.s32 s30, v1;
	s0 =	sadd.s32 $0x8, s0;
	v10 =	vld.idx.msk [tilespmem:v25+s3+$0x0], $0xffff;
	[tilespmem:v26+s16+$0x0] =	vst.idx.msk $0xffff, v23  }
0x73: {  	_ =	sdelay $0x3  }
0x74: {  	v19 =	vadd.s32 s26, v2;
	[tilespmem:v12+s16+$0x0] =	vst.idx.msk $0xffff, v3  }
0x75: {  	v3 =	vadd.s32 s1, v1;
	v8 =	vld.idx.msk [tilespmem:v8+s3+$0x0], $0xffff;
	v54 =	vadd.s32 s24, v2;
	[tilespmem:v13+s16+$0x0] =	vst.idx.msk $0xffff, v4  }
0x76: {  	v55 =	vld.idx.msk [tilespmem:v9+s3+$0x0], $0xffff;
	v56 =	vadd.s32 s25, v2;
	[tilespmem:v14+s16+$0x0] =	vst.idx.msk $0xffff, v5  }
0x77: {  	v57 =	vld.idx.msk [tilespmem:v11+s3+$0x0], $0xffff;
	v58 =	vadd.s32 s28, v2;
	[tilespmem:v17+s16+$0x0] =	vst.idx.msk $0xffff, v6  }
0x78: {  	v59 =	vld.idx.msk [tilespmem:v15+s3+$0x0], $0xffff;
	v60 =	vadd.s32 s29, v2;
	[tilespmem:v16+s16+$0x0] =	vst.idx.msk $0xffff, v7  }
0x79: {  	v61 =	vld.idx.msk [tilespmem:v18+s3+$0x0], $0xffff;
	v62 =	vadd.s32 s30, v2;
	[tilespmem:v19+s16+$0x0] =	vst.idx.msk $0xffff, v10  }
0x7a: {  	v63 =	vadd.s32 s1, v2;
	v3 =	vld.idx.msk [tilespmem:v3+s3+$0x0], $0xffff;
	[tilespmem:v54+s16+$0x0] =	vst.idx.msk $0xffff, v8  }
0x7b: {  	[tilespmem:v56+s16+$0x0] =	vst.idx.msk $0xffff, v55  }
0x7c: {  	[tilespmem:v58+s16+$0x0] =	vst.idx.msk $0xffff, v57  }
0x7d: {  	[tilespmem:v60+s16+$0x0] =	vst.idx.msk $0xffff, v59  }
0x7e: {  	[tilespmem:v62+s16+$0x0] =	vst.idx.msk $0xffff, v61  }
0x7f: {  	s0 =	simm.s32 $0x60;
	[tilespmem:v63+s16+$0x0] =	vst.idx.msk $0xffff, v3  }
.LBB2_12:
0x80: {  	v3 =	vadd.s32 s0, v1;
	_ =	sdelay $0x4  }
0x81: {  	v4 =	vadd.s32 s0, v2;
	p0 =	sne.s32 s0, $0x63;
	v3 =	vld.idx.msk [tilespmem:v3+s3+$0x0], $0xffff  }
.Ltmp4:
0x82: {  	_ = 	snop;
	(pc) =	sbr.rel @p0 .LBB2_12-.Ltmp4, $2  }
0x83: {  	_ =	sdelay $0x2  }
0x84: {  	s0 =	sadd.s32 $0x1, s0;
	[tilespmem:v4+s16+$0x0] =	vst.idx.msk $0xffff, v3  }
0x85: {  	s23 =	sadd.s32 $0x1, s23  }
0x86: {  	p0 =	sne.s32 s23, $0x20  }
.Ltmp5:
0x87: {  	_ = 	snop;
	(pc) =	sbr.rel @p0 .LBB2_9-.Ltmp5, $1  }
0x88: {  	_ =	sdelay $0x3  }
0x89: {  	s20 =	sadd.s32 $0x1, s20  }
0x8a: {  	s0 =	smul.u32 $0x64, s21;
	p0 =	sne.s32 s20, $0x19  }
.Ltmp6:
0x8b: {  	_ = 	snop;
	(pc) =	sbr.rel @p0 .LBB2_2-.Ltmp6, $4  }
0x8c: {  	_ = 	snop  }
0x8d: {  	s0 =	sshrl.u32 s0, $0x3  }
0x8e: {  	s0 =	sadd.s32 s2, s0  }
0x8f: {  	[hbm4b:s0+s3] =	stream.linear.scatter [tilespmem:s16], [sflag:$0x4], $0xC800, $0x38;
	[tilespmem:$0x1BB80] =	vst v63  }
0x90: {  	_ =	swait.ge [sflag:s17], $0xC800  }
0x91: {  	[sflag:s17] =	ssyncset.done $0x0  }
0x92: {  	[sflag:s17] =	ssyncadd.s32 $0xFFFF3800  }
0x93: {  	_ =	swait.ge [sflag:s18], $0xC800  }
0x94: {  	s19 =	sadd.s32 $0x1, s19;
	s0 =	rddreg [dreg:$0x5]  }
0x95: {  	p0 =	sne.s32 s19, s0  }
.Ltmp7:
0x96: {  	_ = 	snop;
	(pc) =	sbr.rel @p0 .LBB2_1-.Ltmp7, $3  }
0x97: {  	_ =	sdelay $0x1  }
0x98: {  	[sflag:s18] =	ssyncset.done $0x0  }
0x99: {  	[sflag:s18] =	ssyncadd.s32 $0xFFFF3800  }
0x9a: {  	_ =	sfence.sel $0x180000  }
0x9b: {  	[bflag:$0x0] =	sbarrier.arrive $0xFFFF  }
0x9c: {  	_ =	strace $0x90000047  }
0x9d: {  	s0 =	stileid.u32;
	[bflag:$0x2] =	sbarrier.arrive $0xFFFF  }
0x9e: {  	p0 =	sne.s32 s0, $0x0;
	s0 =	rddreg [dreg:$0x2]  }
0x9f: {  	s0 =	sadd.s32 @!p0 $0x100000, s0  }
0xa0: {  	[sflag:s0] =	ssyncadd.tile.s32 @!p0 $0x1;
	_ =	shalt  }
.Lfunc_end2:
_tile_overlayer_lowered:
.L_overlay_start_2:
0xa1: {  	(tag) =	ssettag $0x2  }
0xa2: {  	s0 =	rddreg [dreg:$0x0];
	s2 =	stileid.u32  }
0xa3: {  	s1 =	rddreg [dreg:$0x1];
	p0 =	sne.s32 s2, $0x0  }
0xa4: {  	s3 =	rddreg [dreg:$0x2];
	[bflag:$0x3] =	sbarrier.arrive $0xFFFF;
	s2 =	simm.s32 @!p0 $0x1C05  }
0xa5: {  	[timem:s3], [sflag:s2] =	dma.local @!p0 [hbm:s0], s1  }
0xa6: {  	s0 =	simm.s32 @!p0 $0x5  }
0xa7: {  	_ =	swait.ge @!p0 [sflag:s0], s1  }
0xa8: {  	s1 =	ssub.s32 @!p0 $0x0, s1;
	[sflag:s0] =	ssyncset.done @!p0 $0x0  }
0xa9: {  	[sflag:s0] =	ssyncadd.s32 @!p0 s1  }
0xaa: {  	[bflag:$0x3] =	sbarrier.arrive $0xFFFF  }
0xab: {  	_ =	shalt  }

// kernel: sparse-core-data-format-call.cloned.1.call-start
scs
called_computation_lowered:
.L_overlay_start_0:
0x0: {  	s2 =	sld [smem:$0x3FD9]  }
0x1: {  	s3 =	sld [smem:$0x3FFE];
	_ =	sdelay $0x1  }
0x2: {  	s1 =	srdreg.scid  }
0x3: {  	s0 =	sand.u32 $0x1, s1  }
0x4: {  	s18 =	sshll.u32 s0, $0xA;
	s2 =	sadd.s32 s3, s2  }
0x5: {  	s2 =	sadd.s32 s2, s18  }
0x6: {  	[smem:$0x3FC6] =	sst s2  }
0x7: {  	_ = 	snop  }
0x8: {  	s2 =	sld [smem:$0x3FD0];
	(tm) =	ssettm $0x1  }
0x9: {  	s19 =	sld [smem:$0x3FFB];
	_ =	sdelay $0x3  }
0xa: {  	_ =	strace s19  }
0xb: {  	s3 =	sld [smem:$0x3FFC];
	_ =	sdelay $0x3  }
0xc: {  	_ =	strace s3  }
0xd: {  	s3 =	sld [smem:$0x3FFD];
	_ =	sdelay $0x3  }
0xe: {  	_ =	strace s3  }
0xf: {  	_ =	strace $0x8FFFFFFF  }
0x10: {  	s20 =	sld [smem:$0x3FDB];
	_ =	sdelay $0x1  }
0x11: {  	s4 =	simm.s32 $_scs_section_size  }
0x12: {  	s5 =	simm.s32 $_size__tile_overlayer_lowered;
	s6 =	simm.s32 $_tile_overlayer_lowered  }
0x13: {  	s23 =	simm.s32 $0x1BFF;
	s22 =	sshll.u32 s6, $0x1;
	s3 =	sadd.s32 s4, s20  }
0x14: {  	s7 =	simm.s32 $0x0;
	s21 =	sshll.u32 s5, $0x1;
	s5 =	sadd.s32 s22, s3  }
0x15: {  	[timem:s7], [sflag:s23] =	dma.local [hbm:s5], s21  }
0x16: {  	_ =	swait.ge [sflag:s23], s21  }
0x17: {  	s4 =	ssub.s32 $0x0, s21;
	[sflag:s23] =	ssyncset.done $0x0  }
0x18: {  	[sflag:s23] =	ssyncadd.s32 s4;
	_ =	sdelay $0x1  }
0x19: {  	s24 =	simm.s32 $0x1B8B  }
0x1a: {  	_ =	swait.ge [sflag:s24], $0x1  }
0x1b: {  	[sflag:s24] =	ssyncset.done $0x0  }
0x1c: {  	s26 =	simm.s32 $0x1B8E;
	s25 =	sld [smem:$0x3FFE];
	[sflag:s24] =	ssyncadd.s32 $0xFFFFFFFF  }
0x1d: {  	s27 =	simm.s32 $execute0_lowered;
	[smem:$0x3FD2] =	sst s26  }
0x1e: {  	s5 =	sshll.u32 s27, $0x1;
	_ =	strace $0x80000049;
	[dreg:$0x1] =	wrdreg $0xFFFFFFFF  }
0x1f: {  	s28 =	simm.s32 $_size_execute0_lowered;
	s3 =	sadd.s32 s3, s5;
	[dreg:$0x0] =	wrdreg $0x0  }
0x20: {  	s5 =	sshll.u32 s28, $0x1;
	[dreg:$0x2] =	wrdreg s3  }
0x21: {  	[dreg:$0x3] =	wrdreg s5  }
0x22: {  	[dreg:$0x4] =	wrdreg $0xC0  }
0x23: {  	_ =	task [dreg:s7], $0x5FFFF  }
0x24: {  	[dreg:$0x1] =	wrdreg $0xFFFFFFFF  }
0x25: {  	[dreg:$0x0] =	wrdreg $0x60  }
0x26: {  	[dreg:$0x2] =	wrdreg s25  }
0x27: {  	[dreg:$0x3] =	wrdreg s2  }
0x28: {  	[dreg:$0x4] =	wrdreg $0x9  }
0x29: {  	_ =	task.clear_ibuf [dreg:s7], $0x5FFFF;
	_ =	strace $0x90000049  }
0x2a: {  	s29 =	simm.s32 $0x9;
	_ =	strace $0x8000004B  }
0x2b: {  	_ =	swait.ge [sflag:s29], $0x1  }
0x2c: {  	[sflag:s29] =	ssyncadd.s32 $0xFFFFFFFF  }
0x2d: {  	_ =	strace $0x9000004B  }
0x2e: {  	_ =	sfence  }
0x2f: {  	s30 =	sld [smem:$0x0];
	_ =	sdelay $0x2  }
0x30: {  	s31 =	sshll.u32 s1, $0xD;
	s1 =	sshrl.u32 s1, $0x2  }
0x31: {  	s3 =	sand.u32 $0x4000, s31;
	s1 =	sadd.s32 s1, s30  }
0x32: {  	s0 =	sor.u32 s3, s0;
	s1 =	sshll.u32 s1, $0x11  }
0x33: {  	s0 =	sor.u32 s1, s0  }
0x34: {  	s0 =	sadd.s32 $0x8F2B, s0  }
0x35: {  	[sflag:s0] =	ssyncadd.remote.s32 $0x1  }
0x36: {  	_ =	sfence.sel $0xFFFF  }
0x37: {  	[dreg:$0x0] =	wrdreg $0xFFFFFFFF;
	(pc) =	sbr.abs _section_cstart, $3  }
0x38: {  	[dreg:$0x1] =	wrdreg $0xFFFFFFFF  }
0x39: {  	_ =	task.clear_ibuf [dreg:s7], $0x2FFFF;
	_ =	strace $0x9FFFFFFF  }
0x3a: {  	(tm) =	ssettm $0x7FFFFFFF  }
0x3b: {  	_ =	shalt  }
tec
execute0_lowered:
.L_overlay_start_1:
0x0: {  	(tag) =	ssettag $0x1  }
0x1: {  	s0 =	srdreg.scid  }
0x2: {  	s1 =	sshll.u32 s0, $0x4  }
0x3: {  	s6 =	rddreg [dreg:$0x0];
	s0 =	stileid.u32;
	s1 =	sand.u32 $0x10, s1  }
0x4: {  	s3 =	rddreg [dreg:$0x1];
	s1 =	sor.u32 s0, s1  }
0x5: {  	s5 =	simm.s32 $0x1;
	s31 =	simm.s32 $0x2;
	s2 =	sshll.u32 s1, $0x7  }
0x6: {  	s15 =	simm.s32 $0x0;
	s8 =	simm.s32 $0xC8000;
	s4 =	ssub.s32 $0x1000, s2  }
0x7: {  	s14 =	simm.s32 $0x0;
	s9 =	simm.s32 $0x0;
	s30 =	sand.u32 $0xF80, s4  }
0x8: {  	s10 =	simm.s32 $0x0;
	s11 =	simm.s32 $0x0;
	p0 =	sne.s32 s30, $0x0  }
.Ltmp0:
0x9: {  	s7 =	sshrl.u32 s4, $0xC;
	s5 =	simm.s32 @!p0 $0x0;
	(pc) =	sbr.rel .LBB1_1-.Ltmp0, $4  }
0xa: {  	s13 =	simm.s32 $0x0;
	s1 =	rddreg [dreg:$0x2];
	s5 =	sadd.s32 s5, s7  }
0xb: {  	_ =	strace $0x8000004A;
	s4 =	simm.s32 $0x1;
	s5 =	smul.u32 $0xC8, s5  }
0xc: {  	s6 =	sadd.s32 $0x800, s6;
	s12 =	smov.u32 s2;
	[sflag:s4] =	ssyncpa.u1 $0x0  }
0xd: {  	[sflag:s31] =	ssyncpa.u1 $0x0;
	p0 =	por $0x0, $0x0;
	s7 =	sor.u32 $0x1, s5  }
.LBB1_4:
0xe: {  	s20 =	sshra.s32 s20, $0x2;
	s27 =	sshll.u32 s9, $0xC  }
0xf: {  	s21 =	sand.u32 $0x78, s10;
	s22 =	sshll.u32 s10, $0x3;
	s24 =	sshll.u32 s9, $0x7  }
0x10: {  	p1 =	sgt.s32 s9, $0xC7;
	s30 =	sshra.s32 s9, $0x1F;
	s25 =	sshra.s32 s10, $0x1F  }
0x11: {  	s19 =	sadd.s32 s20, s19;
	s20 =	sand.u32 $0xFFFF8000, s27;
	s23 =	sand.u32 $0xFFFFFC00, s22  }
0x12: {  	v5 =	vld [tilespmem:s17+$0xFFFFFFD0];
	[tilespmem:s18+$0x2040 ss:$0x81] =	vst.msk $0xffff, v4;
	s22 =	sand.u32 $0xC00, s22;
	s28 =	sand.u32 $0x380, s24;
	s31 =	sand.u32 s30, s9  }
0x13: {  	v58 =	vld [tilespmem:s17+$0xFFFFFFE0];
	[tilespmem:s18+$0x2850 ss:$0x81] =	vst.msk $0xffff, v3;
	s24 =	smov.u32 s10;
	s25 =	sand.u32 s25, s10;
	s20 =	sadd.s32 s23, s20  }
0x14: {  	v59 =	vld [tilespmem:s17+$0xFFFFFFF0];
	[tilespmem:s18+$0x3060 ss:$0x81] =	vst.msk $0xffff, v2;
	s21 =	sor.u32 s21, s22;
	s22 =	smov.u32 s9;
	s20 =	sshrl.u32 s20, $0xC  }
0x15: {  	v60 =	vld [tilespmem:s17+$0x0];
	[tilespmem:s18+$0x0 ss:$0x81] =	vst.msk $0xffff, v1;
	s22 =	simm.s32 @!p1 $0xC7;
	p1 =	sgt.s32 s10, $0xF80;
	s29 =	smulhi.u32 $0x147AE15, s20  }
0x16: {  	v61 =	vld [tilespmem:s17+$0x10];
	[tilespmem:s19+$0x3870 ss:$0x81] =	vst.msk $0xffff, v0;
	s21 =	sor.u32 s28, s21;
	s18 =	ssub.s32 s22, s31;
	s24 =	simm.s32 @!p1 $0xF80  }
0x17: {  	v62 =	vld [tilespmem:s17+$0x20];
	[tilespmem:s19+$0x810 ss:$0x81] =	vst.msk $0xffff, v5;
	s22 =	ssub.s32 s24, s25;
	s26 =	ssub.s32 $0xC8, s18;
	s23 =	smul.u32 $0xC8, s29  }
0x18: {  	v63 =	vld [tilespmem:s17+$0xFFFFFFC0];
	[tilespmem:s19+$0x1020 ss:$0x81] =	vst.msk $0xffff, v58;
	s27 =	sadd.s32 $0xFFFFFF39, s18;
	s18 =	smul.u32 $0x64, s26;
	s28 =	sadd.s32 $0xFFFFF080, s22  }
0x19: {  	[tilespmem:s19+$0x1830 ss:$0x81] =	vst.msk $0xffff, v59;
	p1 =	sgt.s32 s27, $0x0;
	s17 =	ssub.s32 $0x1000, s22;
	p2 =	sgt.s32 s28, $0x7F  }
0x1a: {  	s30 =	sand.u32 $0x7, s10;
	[tilespmem:s19+$0x2040 ss:$0x81] =	vst.msk $0xffff, v60;
	s18 =	simm.s32 @p1 $0x0;
	s17 =	simm.s32 @p2 $0x0  }
0x1b: {  	[tilespmem:s19+$0x2850 ss:$0x81] =	vst.msk $0xffff, v61;
	s29 =	sshrl.u32 s21, $0x3;
	s20 =	ssub.s32 s20, s23;
	s17 =	smul.u32 s17, s18  }
0x1c: {  	[tilespmem:s19+$0x3060 ss:$0x81] =	vst.msk $0xffff, v62;
	s21 =	sshll.u32 s30, $0x12;
	s20 =	sshll.u32 s20, $0x9;
	s18 =	sadd.s32 s3, s29  }
0x1d: {  	[tilespmem:s19+$0x0 ss:$0x81] =	vst.msk $0xffff, v63;
	s31 =	sor.u32 $0x80, s21;
	s18 =	sadd.s32 s20, s18;
	s17 =	sand.u32 $0x3FFFFFFC, s17  }
0x1e: {  	[hbm4b:s18+s31] =	stream.strided.scatter [tilespmem:s16], [sflag:$0x2], s17, s8, s31, $0x20;
	[tilespmem:$0x10100] =	vst v63  }
.LBB1_5:
0x1f: {  	p1 =	slt.u32 s13, $0x2  }
0x20: {  	s17 =	smov.u32 s15;
	p2 =	sgt.s32 @!p1 s15, $0xC7;
	s16 =	sshra.s32 @!p1 s15, $0x1F  }
0x21: {  	p3 =	sgt.s32 @!p1 s14, $0xF80;
	s18 =	sshra.s32 @!p1 s14, $0x1F;
	p2 =	por !p2, p1  }
0x22: {  	s15 =	sand.u32 @!p1 s16, s15;
	p3 =	por !p3, p1;
	s16 =	smov.u32 s14  }
0x23: {  	s14 =	sand.u32 @!p1 s18, s14;
	s17 =	simm.s32 @p2 $0xC7;
	s16 =	simm.s32 @p3 $0xF80  }
0x24: {  	s18 =	smov.u32 s12;
	s15 =	ssub.s32 @!p1 s17, s15;
	s14 =	ssub.s32 @!p1 s16, s14  }
0x25: {  	s16 =	sadd.s32 @!p1 $0xFFFFFF39, s15;
	s15 =	ssub.s32 @!p1 $0xC8, s15;
	s17 =	sadd.s32 @!p1 $0xFFFFF080, s14  }
0x26: {  	p2 =	sgt.s32 @!p1 s16, $0x0;
	s15 =	smul.u32 @!p1 $0x64, s15;
	p3 =	sgt.s32 @!p1 s17, $0x7F  }
0x27: {  	s14 =	ssub.s32 @!p1 $0x1000, s14;
	p2 =	por !p2, p1;
	p3 =	por !p3, p1  }
0x28: {  	s16 =	sadd.s32 $0x1, s11;
	s15 =	simm.s32 @!p2 $0x0;
	s14 =	simm.s32 @!p3 $0x0  }
0x29: {  	p2 =	sgt.s32 s16, $0xC7;
	s14 =	smul.u32 @!p1 s14, s15;
	s15 =	sadd.s32 $0x1000, s12  }
0x2a: {  	s18 =	smov.u32 @p2 s15  }
0x2b: {  	s16 =	simm.s32 @p2 $0x0;
	p2 =	sgt.s32 s18, $0xFFF  }
0x2c: {  	s18 =	smov.u32 @p2 s2;
	p2 =	sne.s32 s13, s7  }
.Ltmp1:
0x2d: {  	p0 =	por !p0, !p0;
	s17 =	simm.s32 @!p1 $0x2;
	(pc) =	sbr.rel @!p2 .LBB1_6-.Ltmp1, $4  }
0x2e: {  	s15 =	smov.u32 s9;
	s9 =	smov.u32 s11;
	s14 =	sand.u32 @!p1 $0x3FFFFFFC, s14  }
0x2f: {  	s11 =	smov.u32 s16;
	_ =	swait.ge @!p1 [sflag:s17], s14;
	s19 =	ssub.s32 @!p1 $0x0, s14  }
0x30: {  	s14 =	smov.u32 s10;
	s13 =	sadd.s32 $0x1, s13;
	[sflag:s17] =	ssyncset.done @!p1 $0x0  }
0x31: {  	s10 =	smov.u32 s12;
	s12 =	smov.u32 s18;
	[sflag:s17] =	ssyncadd.s32 @!p1 s19  }
.LBB1_1:
0x32: {  	p1 =	sge.u32 s13, s5  }
0x33: {  	s16 =	sand.u32 @!p1 $0x1FFFFFF, s11  }
0x34: {  	s17 =	smulhi.u32 @!p1 $0x147AE15, s16;
	_ =	sdelay $0x1  }
0x35: {  	s17 =	smul.u32 @!p1 $0xC8, s17  }
0x36: {  	s18 =	sxor.u32 @!p1 $0xFFFFFFFF, s13;
	s19 =	smul.u32 @!p1 $0xC80, s12  }
0x37: {  	s31 =	sadd.s32 $0xFFFFFFFF, s13;
	s18 =	sshll.u32 @!p1 s18, $0xE;
	s16 =	ssub.s32 @!p1 s16, s17  }
0x38: {  	s17 =	sand.u32 @!p1 $0x4000, s18;
	s18 =	sadd.s32 @!p1 s6, s19;
	s16 =	sshll.u32 @!p1 s16, $0x4  }
0x39: {  	s19 =	simm.s32 @!p1 $0x6400;
	s16 =	sadd.s32 @!p1 s16, s18;
	s18 =	simm.s32 @!p1 $0x80  }
0x3a: {  	[tilespmem:s17], [sflag:$0x1] =	stream.strided.gather @!p1 [hbm4b:s16+s18], $0x4000, s19, s18, $0x38;
	[tilespmem:$0x10100] =	vst v63  }
0x3b: {  	p1 =	sge.u32 s31, s5  }
.Ltmp2:
0x3c: {  	_ = 	snop;
	(pc) =	sbr.rel @p1 .LBB1_5-.Ltmp2, $1  }
0x3d: {  	_ =	sdelay $0x3  }
0x3e: {  	s16 =	simm.s32 $0x1  }
0x3f: {  	_ =	swait.ge [sflag:s4], $0x4000;
	s16 =	simm.s32 @!p0 $0x0  }
0x40: {  	[sflag:s4] =	ssyncset.done $0x0;
	s17 =	sshll.u32 s16, $0xE  }
0x41: {  	[sflag:s4] =	ssyncadd.s32 $0xFFFFC000;
	s17 =	sor.u32 $0x40, s17  }
0x42: {  	s16 =	smul.u32 $0x10200, s16;
	v0 =	vld [tilespmem:s17+$0x30]  }
0x43: {  	v1 =	vld [tilespmem:s17+$0xFFFFFFD0]  }
0x44: {  	s16 =	sshrl.u32 s16, $0x2;
	v5 =	vld [tilespmem:s17+$0xFFFFFFE0]  }
0x45: {  	v6 =	vld [tilespmem:s17+$0xFFFFFFF0];
	s19 =	sor.u32 $0x8000, s16  }
0x46: {  	s31 =	sand.u32 $0x1, s13;
	v4 =	vld [tilespmem:s17+$0x0];
	s18 =	sadd.s32 $0x0, s19  }
0x47: {  	v3 =	vld [tilespmem:s17+$0x10];
	s16 =	smul.u32 $0x10200, s31;
	[tilespmem:s18+$0x3870 ss:$0x81] =	vst.msk $0xffff, v0  }
0x48: {  	v2 =	vld [tilespmem:s17+$0x20];
	[tilespmem:s18+$0x810 ss:$0x81] =	vst.msk $0xffff, v1  }
0x49: {  	s16 =	sshrl.u32 s16, $0x2;
	v1 =	vld [tilespmem:s17+$0xFFFFFFC0];
	[tilespmem:s18+$0x1020 ss:$0x81] =	vst.msk $0xffff, v5;
	s17 =	sadd.s32 $0x80, s17  }
0x4a: {  	s20 =	simm.s32 $0x4;
	s21 =	simm.s32 $0x8;
	s16 =	sor.u32 $0x8000, s16;
	[tilespmem:s18+$0x1830 ss:$0x81] =	vst.msk $0xffff, v6;
	v0 =	vld [tilespmem:s17+$0x30]  }
.LBB1_3:
0x4b: {  	p1 =	sne.s32 s21, $0x1FC;
	v5 =	vld [tilespmem:s17+$0xFFFFFFD0];
	[tilespmem:s18+$0x2040 ss:$0x81] =	vst.msk $0xffff, v4  }
0x4c: {  	v6 =	vld [tilespmem:s17+$0xFFFFFFE0];
	[tilespmem:s18+$0x2850 ss:$0x81] =	vst.msk $0xffff, v3  }
0x4d: {  	s22 =	sshra.s32 s20, $0x2;
	s20 =	smov.u32 s21;
	v7 =	vld [tilespmem:s17+$0xFFFFFFF0];
	[tilespmem:s18+$0x3060 ss:$0x81] =	vst.msk $0xffff, v2  }
.Ltmp3:
0x4e: {  	v4 =	vld [tilespmem:s17+$0x0];
	[tilespmem:s18+$0x0 ss:$0x81] =	vst.msk $0xffff, v1;
	s18 =	sadd.s32 s22, s19;
	(pc) =	sbr.rel @p1 .LBB1_3-.Ltmp3, $4  }
0x4f: {  	v3 =	vld [tilespmem:s17+$0x10];
	[tilespmem:s18+$0x3870 ss:$0x81] =	vst.msk $0xffff, v0  }
0x50: {  	[tilespmem:s18+$0x810 ss:$0x81] =	vst.msk $0xffff, v5;
	v2 =	vld [tilespmem:s17+$0x20]  }
0x51: {  	v1 =	vld [tilespmem:s17+$0xFFFFFFC0];
	[tilespmem:s18+$0x1020 ss:$0x81] =	vst.msk $0xffff, v6;
	s17 =	sadd.s32 $0x80, s17  }
0x52: {  	s21 =	sadd.s32 $0x4, s21;
	v0 =	vld [tilespmem:s17+$0x30];
	[tilespmem:s18+$0x1830 ss:$0x81] =	vst.msk $0xffff, v7  }
.Ltmp4:
0x53: {  	_ = 	snop;
	(pc) =	sbr.rel .LBB1_4-.Ltmp4, $1  }
0x54: {  	_ =	sdelay $0x3  }
.LBB1_6:
0x55: {  	_ =	sfence.sel $0x180000  }
0x56: {  	s2 =	simm.s32 $0x1;
	[bflag:$0x0] =	sbarrier.arrive $0xFFFF  }
0x57: {  	s31 =	simm.s32 $0x2;
	[sflag:s2] =	ssyncpa.u1 $0x1  }
0x58: {  	[sflag:s31] =	ssyncpa.u1 $0x1  }
0x59: {  	p0 =	sne.s32 s0, $0x0;
	_ =	strace $0x9000004A  }
0x5a: {  	s0 =	sadd.s32 @!p0 $0x100000, s1;
	[bflag:$0x2] =	sbarrier.arrive $0xFFFF  }
0x5b: {  	[sflag:s0] =	ssyncadd.tile.s32 @!p0 $0x1;
	_ =	shalt  }
.Lfunc_end1:
_tile_overlayer_lowered:
.L_overlay_start_2:
0x5c: {  	(tag) =	ssettag $0x2  }
0x5d: {  	s0 =	rddreg [dreg:$0x0];
	s2 =	stileid.u32  }
0x5e: {  	s1 =	rddreg [dreg:$0x1];
	p0 =	sne.s32 s2, $0x0  }
0x5f: {  	s3 =	rddreg [dreg:$0x2];
	[bflag:$0x3] =	sbarrier.arrive $0xFFFF;
	s2 =	simm.s32 @!p0 $0x1C01  }
0x60: {  	[timem:s3], [sflag:s2] =	dma.local @!p0 [hbm:s0], s1  }
0x61: {  	s0 =	simm.s32 @!p0 $0x1  }
0x62: {  	_ =	swait.ge @!p0 [sflag:s0], s1  }
0x63: {  	s1 =	ssub.s32 @!p0 $0x0, s1;
	[sflag:s0] =	ssyncset.done @!p0 $0x0  }
0x64: {  	[sflag:s0] =	ssyncadd.s32 @!p0 s1  }
0x65: {  	[bflag:$0x3] =	sbarrier.arrive $0xFFFF  }
0x66: {  	_ =	shalt  }

</sc_bundles>
